<compile_context>
chip_gen: v7x
topology: tpu7x:2x2x1
jax: 0.10.2.dev20260603
libtpu: 0.0.44.dev20260713+nightly
codegen_flags: <defaults>
</compile_context>

<pallas_src>
import functools

import jax
import jax.numpy as jnp
from jax import lax
from jax.experimental import pallas as pl
from jax.experimental.pallas import tpu as pltpu
from jax.experimental.pallas import tpu_sc as plsc

_N_ATOMS = 100000
_NUM_WORKERS = 32
_PER_W = 3136
_LAST_W = _N_ATOMS - 31 * _PER_W
_N_SPECIES = 120
_LANES = 16


def _sc_body(x_hbm, z_hbm, tab_hbm, out_hbm, tab_v, x_v, z_v, o_v,
             sem_a, sem_b, sem_o):
    wid = lax.axis_index("s") * 2 + lax.axis_index("c")
    base = wid * _PER_W

    def work(size, unroll):
        cp_t = pltpu.make_async_copy(tab_hbm, tab_v, sem_a)
        cp_x = pltpu.make_async_copy(
            x_hbm.at[pl.ds(base, size)], x_v.at[pl.ds(0, size)], sem_a)
        cp_z = pltpu.make_async_copy(
            z_hbm.at[pl.ds(base, size)], z_v.at[pl.ds(0, size)], sem_a)
        cp_t.start()
        cp_x.start()
        cp_z.start()
        cp_t.wait()
        cp_x.wait()
        cp_z.wait()

        @plsc.parallel_loop(0, size, step=_LANES, unroll=unroll)
        def body(o):
            z = z_v[pl.ds(o, _LANES)]
            s = plsc.load_gather(tab_v, [z])
            o_v[pl.ds(o, _LANES)] = x_v[pl.ds(o, _LANES)] - s

        pltpu.sync_copy(o_v.at[pl.ds(0, size)], out_hbm.at[pl.ds(base, size)])

    @pl.when(wid < _NUM_WORKERS - 1)
    def _():
        work(_PER_W, 14)
    @pl.when(wid == _NUM_WORKERS - 1)
    def _():
        work(_LAST_W, 6)


_sc_call = functools.partial(
    pl.kernel,
    out_type=jax.ShapeDtypeStruct((_N_ATOMS,), jnp.float32),
    mesh=plsc.VectorSubcoreMesh(core_axis_name="c", subcore_axis_name="s"),
    compiler_params=pltpu.CompilerParams(
        needs_layout_passes=False, skip_device_barrier=True),
    scratch_types=[
        pltpu.VMEM((_N_SPECIES,), jnp.float32),
        pltpu.VMEM((_PER_W,), jnp.float32),
        pltpu.VMEM((_PER_W,), jnp.int32),
        pltpu.VMEM((_PER_W,), jnp.float32),
        pltpu.SemaphoreType.DMA,
        pltpu.SemaphoreType.DMA,
        pltpu.SemaphoreType.DMA,
    ],
)(_sc_body)


@jax.jit
def kernel(x, Z, shift):
    return _sc_call(x, Z, shift.reshape(_N_SPECIES))

# --- scband reference (transcript-rebuilt; emitter-appended) ---
"""Pipeline reference for scband-per-atom-shift-41515153883403 (READ-ONLY COPY).

The authoritative reference and input builder live on the scoring server;
editing this copy changes nothing except your own understanding.
"""

import jax, jax.numpy as jnp
import numpy as np

N_ATOMS = 100000
N_SPECIES = 120

def setup_inputs(seed: int = 0) -> dict:
    key = jax.random.key(seed)
    k1, k2, k3 = jax.random.split(key, 3)
    x = jax.random.normal(k1, (N_ATOMS,), dtype=jnp.float32)
    Z = jax.random.randint(k2, (N_ATOMS,), 0, N_SPECIES, dtype=jnp.int32)
    # learned per-species shift parameter (PerSpeciesParameter.of_dim(dim=1))
    shift = jax.random.normal(k3, (N_SPECIES, 1), dtype=jnp.float32)
    return {"x": x, "Z": Z, "shift": shift}

def reference(x, Z, shift):
    # PerAtomShift.forward for a local (per-atom) property:
    #   return -self._add_per_species_shift(-x, graph)
    #   where _add_per_species_shift(x) = x + shift[Z].squeeze()
    per_atom_shift = jnp.take(shift, Z, axis=0).squeeze(-1)  # embedding gather [N]
    return -((-x) + per_atom_shift)

if __name__ == "__main__":
    import jax
    _d = setup_inputs()
    print(jax.jit(kernel)(*tuple(_d.values())))

</pallas_src>

<mosaic_0001>
#map = affine_map<(d0, d1) -> (0)>
module attributes {stable_mosaic.version = 14 : i64} {
  func.func @_sc_body(%arg0: i32, %arg1: i32, %arg2: memref<100000xf32, #tpu.memory_space<hbm>>, %arg3: memref<100000xi32, #tpu.memory_space<hbm>>, %arg4: memref<120xf32, #tpu.memory_space<hbm>>, %arg5: memref<100000xf32, #tpu.memory_space<hbm>>, %arg6: memref<120xf32, #tpu.memory_space<vmem>>, %arg7: memref<3136xf32, #tpu.memory_space<vmem>>, %arg8: memref<3136xi32, #tpu.memory_space<vmem>>, %arg9: memref<3136xf32, #tpu.memory_space<vmem>>, %arg10: memref<!tpu.dma_semaphore, #tpu.memory_space<semaphore_mem>>, %arg11: memref<!tpu.dma_semaphore, #tpu.memory_space<semaphore_mem>>, %arg12: memref<!tpu.dma_semaphore, #tpu.memory_space<semaphore_mem>>) attributes {dimension_semantics = [#tpu.dimension_semantics<core_parallel>, #tpu.dimension_semantics<subcore_parallel>], iteration_bounds = array<i64: 2, 16>, scalar_prefetch = 0 : i64, scratch_operands = 7 : i64, tpu.core_type = #tpu.core_type<sc_vector_subcore>, window_params = [{transform_indices = #map}, {transform_indices = #map}, {transform_indices = #map}, {transform_indices = #map}]} {
    %mul3A = arith.constant 2 : i32
    %mul3A_0 = arith.muli %arg1, %mul3A : i32
    %add3A = arith.addi %mul3A_0, %arg0 : i32
    %mul3A_1 = arith.constant 3136 : i32
    %mul3A_2 = arith.muli %add3A, %mul3A_1 : i32
    %lt3A = arith.constant 31 : i32
    %lt3A_3 = arith.cmpi slt, %add3A, %lt3A : i32
    %convert_element_type3A = arith.extui %lt3A_3 : i1 to i32
    %cond3A = arith.constant 0 : i32
    %cond3A_4 = arith.cmpi ne, %convert_element_type3A, %cond3A : i32
    scf.if %cond3A_4 {
      tpu.enqueue_dma source(%arg4 : memref<120xf32, #tpu.memory_space<hbm>>) target(%arg6 : memref<120xf32, #tpu.memory_space<vmem>>) target_semaphore(%arg10 : memref<!tpu.dma_semaphore, #tpu.memory_space<semaphore_mem>>)
      %dma_start3A = arith.constant 0 : i32
      %dma_start3A_9 = tpu.memref_slice %arg7[%dma_start3A] : memref<3136xf32, #tpu.memory_space<vmem>> -> memref<3136xf32, #tpu.memory_space<vmem>>
      %dma_start3A_10 = tpu.memref_slice %arg2[%mul3A_2] : memref<100000xf32, #tpu.memory_space<hbm>> -> memref<3136xf32, #tpu.memory_space<hbm>>
      %dma_start3A_11 = arith.constant 0 : i32
      %dma_start3A_12 = tpu.memref_slice %arg7[%dma_start3A_11] : memref<3136xf32, #tpu.memory_space<vmem>> -> memref<3136xf32, #tpu.memory_space<vmem>>
      %dma_start3A_13 = tpu.memref_slice %arg2[%mul3A_2] : memref<100000xf32, #tpu.memory_space<hbm>> -> memref<3136xf32, #tpu.memory_space<hbm>>
      tpu.enqueue_dma source(%dma_start3A_13 : memref<3136xf32, #tpu.memory_space<hbm>>) target(%dma_start3A_12 : memref<3136xf32, #tpu.memory_space<vmem>>) target_semaphore(%arg10 : memref<!tpu.dma_semaphore, #tpu.memory_space<semaphore_mem>>)
      %dma_start3A_14 = arith.constant 0 : i32
      %dma_start3A_15 = tpu.memref_slice %arg8[%dma_start3A_14] : memref<3136xi32, #tpu.memory_space<vmem>> -> memref<3136xi32, #tpu.memory_space<vmem>>
      %dma_start3A_16 = tpu.memref_slice %arg3[%mul3A_2] : memref<100000xi32, #tpu.memory_space<hbm>> -> memref<3136xi32, #tpu.memory_space<hbm>>
      %dma_start3A_17 = arith.constant 0 : i32
      %dma_start3A_18 = tpu.memref_slice %arg8[%dma_start3A_17] : memref<3136xi32, #tpu.memory_space<vmem>> -> memref<3136xi32, #tpu.memory_space<vmem>>
      %dma_start3A_19 = tpu.memref_slice %arg3[%mul3A_2] : memref<100000xi32, #tpu.memory_space<hbm>> -> memref<3136xi32, #tpu.memory_space<hbm>>
      tpu.enqueue_dma source(%dma_start3A_19 : memref<3136xi32, #tpu.memory_space<hbm>>) target(%dma_start3A_18 : memref<3136xi32, #tpu.memory_space<vmem>>) target_semaphore(%arg10 : memref<!tpu.dma_semaphore, #tpu.memory_space<semaphore_mem>>)
      tpu.wait_dma2 semaphore(%arg10 : memref<!tpu.dma_semaphore, #tpu.memory_space<semaphore_mem>>) src(%arg4 : memref<120xf32, #tpu.memory_space<hbm>>) dst(%arg6 : memref<120xf32, #tpu.memory_space<vmem>>)
      %dma_wait3A = arith.constant 0 : i32
      %dma_wait3A_20 = tpu.memref_slice %arg7[%dma_wait3A] : memref<3136xf32, #tpu.memory_space<vmem>> -> memref<3136xf32, #tpu.memory_space<vmem>>
      %dma_wait3A_21 = tpu.memref_slice %arg2[%mul3A_2] : memref<100000xf32, #tpu.memory_space<hbm>> -> memref<3136xf32, #tpu.memory_space<hbm>>
      %dma_wait3A_22 = arith.constant 0 : i32
      %dma_wait3A_23 = tpu.memref_slice %arg7[%dma_wait3A_22] : memref<3136xf32, #tpu.memory_space<vmem>> -> memref<3136xf32, #tpu.memory_space<vmem>>
      %dma_wait3A_24 = tpu.memref_slice %arg2[%mul3A_2] : memref<100000xf32, #tpu.memory_space<hbm>> -> memref<3136xf32, #tpu.memory_space<hbm>>
      tpu.wait_dma2 semaphore(%arg10 : memref<!tpu.dma_semaphore, #tpu.memory_space<semaphore_mem>>) src(%dma_wait3A_24 : memref<3136xf32, #tpu.memory_space<hbm>>) dst(%dma_wait3A_23 : memref<3136xf32, #tpu.memory_space<vmem>>)
      %dma_wait3A_25 = arith.constant 0 : i32
      %dma_wait3A_26 = tpu.memref_slice %arg8[%dma_wait3A_25] : memref<3136xi32, #tpu.memory_space<vmem>> -> memref<3136xi32, #tpu.memory_space<vmem>>
      %dma_wait3A_27 = tpu.memref_slice %arg3[%mul3A_2] : memref<100000xi32, #tpu.memory_space<hbm>> -> memref<3136xi32, #tpu.memory_space<hbm>>
      %dma_wait3A_28 = arith.constant 0 : i32
      %dma_wait3A_29 = tpu.memref_slice %arg8[%dma_wait3A_28] : memref<3136xi32, #tpu.memory_space<vmem>> -> memref<3136xi32, #tpu.memory_space<vmem>>
      %dma_wait3A_30 = tpu.memref_slice %arg3[%mul3A_2] : memref<100000xi32, #tpu.memory_space<hbm>> -> memref<3136xi32, #tpu.memory_space<hbm>>
      tpu.wait_dma2 semaphore(%arg10 : memref<!tpu.dma_semaphore, #tpu.memory_space<semaphore_mem>>) src(%dma_wait3A_30 : memref<3136xi32, #tpu.memory_space<hbm>>) dst(%dma_wait3A_29 : memref<3136xi32, #tpu.memory_space<vmem>>)
      %parallel_loop3A = arith.constant 0 : i32
      %parallel_loop3A_31 = arith.constant 3136 : i32
      %parallel_loop3A_32 = arith.constant 16 : i32
      scf.for %parallel_loop3A_33 = %parallel_loop3A to %parallel_loop3A_31 step %parallel_loop3A_32  : i32 {
        %parallel_loop3A_34 = arith.index_cast %parallel_loop3A_33 : i32 to index
        %parallel_loop3A_35 = tpu.vector_load %arg8[%parallel_loop3A_34] {strides = array<i32>} : memref<3136xi32, #tpu.memory_space<vmem>>, vector<16xi32>,
        %parallel_loop3A_36 = tpu.vector_load_idx %arg6[%parallel_loop3A_35] : memref<120xf32, #tpu.memory_space<vmem>>[vector<16xi32>], vector<16xf32>,
        %parallel_loop3A_37 = arith.index_cast %parallel_loop3A_33 : i32 to index
        %parallel_loop3A_38 = tpu.vector_load %arg7[%parallel_loop3A_37] {strides = array<i32>} : memref<3136xf32, #tpu.memory_space<vmem>>, vector<16xf32>,
        %parallel_loop3A_39 = arith.subf %parallel_loop3A_38, %parallel_loop3A_36 : vector<16xf32>
        %parallel_loop3A_40 = arith.index_cast %parallel_loop3A_33 : i32 to index
        %parallel_loop3A_41 = tpu.vector_load %arg9[%parallel_loop3A_40] {strides = array<i32>} : memref<3136xf32, #tpu.memory_space<vmem>>, vector<16xf32>,
        tpu.vector_store %arg9[%parallel_loop3A_40], %parallel_loop3A_39 {strides = array<i32>} : memref<3136xf32, #tpu.memory_space<vmem>>, vector<16xf32>,
      } {sc.loop_unroll_factor = 14 : i64, sc.parallel_access}
      "tpu.region"() ({
        %run_scoped3A = tpu.sem_alloc : memref<!tpu.dma_semaphore, #tpu.memory_space<semaphore_mem>>
        %dma_start3A_33 = arith.constant 0 : i32
        %dma_start3A_34 = tpu.memref_slice %arg9[%dma_start3A_33] : memref<3136xf32, #tpu.memory_space<vmem>> -> memref<3136xf32, #tpu.memory_space<vmem>>
        %dma_start3A_35 = tpu.memref_slice %arg5[%mul3A_2] : memref<100000xf32, #tpu.memory_space<hbm>> -> memref<3136xf32, #tpu.memory_space<hbm>>
        %dma_start3A_36 = tpu.memref_slice %arg5[%mul3A_2] : memref<100000xf32, #tpu.memory_space<hbm>> -> memref<3136xf32, #tpu.memory_space<hbm>>
        %dma_start3A_37 = arith.constant 0 : i32
        %dma_start3A_38 = tpu.memref_slice %arg9[%dma_start3A_37] : memref<3136xf32, #tpu.memory_space<vmem>> -> memref<3136xf32, #tpu.memory_space<vmem>>
        tpu.enqueue_dma source(%dma_start3A_38 : memref<3136xf32, #tpu.memory_space<vmem>>) target(%dma_start3A_36 : memref<3136xf32, #tpu.memory_space<hbm>>) target_semaphore(%run_scoped3A : memref<!tpu.dma_semaphore, #tpu.memory_space<semaphore_mem>>)
        %dma_wait3A_39 = arith.constant 0 : i32
        %dma_wait3A_40 = tpu.memref_slice %arg9[%dma_wait3A_39] : memref<3136xf32, #tpu.memory_space<vmem>> -> memref<3136xf32, #tpu.memory_space<vmem>>
        %dma_wait3A_41 = tpu.memref_slice %arg5[%mul3A_2] : memref<100000xf32, #tpu.memory_space<hbm>> -> memref<3136xf32, #tpu.memory_space<hbm>>
        %dma_wait3A_42 = tpu.memref_slice %arg5[%mul3A_2] : memref<100000xf32, #tpu.memory_space<hbm>> -> memref<3136xf32, #tpu.memory_space<hbm>>
        %dma_wait3A_43 = arith.constant 0 : i32
        %dma_wait3A_44 = tpu.memref_slice %arg9[%dma_wait3A_43] : memref<3136xf32, #tpu.memory_space<vmem>> -> memref<3136xf32, #tpu.memory_space<vmem>>
        tpu.wait_dma2 semaphore(%run_scoped3A : memref<!tpu.dma_semaphore, #tpu.memory_space<semaphore_mem>>) src(%dma_wait3A_44 : memref<3136xf32, #tpu.memory_space<vmem>>) dst(%dma_wait3A_42 : memref<3136xf32, #tpu.memory_space<hbm>>)
        tpu.yield
      }) : () -> ()
    } else {
    }
    %eq3A = arith.constant 31 : i32
    %eq3A_5 = arith.cmpi eq, %add3A, %eq3A : i32
    %convert_element_type3A_6 = arith.extui %eq3A_5 : i1 to i32
    %cond3A_7 = arith.constant 0 : i32
    %cond3A_8 = arith.cmpi ne, %convert_element_type3A_6, %cond3A_7 : i32
    scf.if %cond3A_8 {
      tpu.enqueue_dma source(%arg4 : memref<120xf32, #tpu.memory_space<hbm>>) target(%arg6 : memref<120xf32, #tpu.memory_space<vmem>>) target_semaphore(%arg10 : memref<!tpu.dma_semaphore, #tpu.memory_space<semaphore_mem>>)
      %dma_start3A = arith.constant 0 : i32
      %dma_start3A_9 = tpu.memref_slice %arg7[%dma_start3A] : memref<3136xf32, #tpu.memory_space<vmem>> -> memref<2784xf32, #tpu.memory_space<vmem>>
      %dma_start3A_10 = tpu.memref_slice %arg2[%mul3A_2] : memref<100000xf32, #tpu.memory_space<hbm>> -> memref<2784xf32, #tpu.memory_space<hbm>>
      %dma_start3A_11 = arith.constant 0 : i32
      %dma_start3A_12 = tpu.memref_slice %arg7[%dma_start3A_11] : memref<3136xf32, #tpu.memory_space<vmem>> -> memref<2784xf32, #tpu.memory_space<vmem>>
      %dma_start3A_13 = tpu.memref_slice %arg2[%mul3A_2] : memref<100000xf32, #tpu.memory_space<hbm>> -> memref<2784xf32, #tpu.memory_space<hbm>>
      tpu.enqueue_dma source(%dma_start3A_13 : memref<2784xf32, #tpu.memory_space<hbm>>) target(%dma_start3A_12 : memref<2784xf32, #tpu.memory_space<vmem>>) target_semaphore(%arg10 : memref<!tpu.dma_semaphore, #tpu.memory_space<semaphore_mem>>)
      %dma_start3A_14 = arith.constant 0 : i32
      %dma_start3A_15 = tpu.memref_slice %arg8[%dma_start3A_14] : memref<3136xi32, #tpu.memory_space<vmem>> -> memref<2784xi32, #tpu.memory_space<vmem>>
      %dma_start3A_16 = tpu.memref_slice %arg3[%mul3A_2] : memref<100000xi32, #tpu.memory_space<hbm>> -> memref<2784xi32, #tpu.memory_space<hbm>>
      %dma_start3A_17 = arith.constant 0 : i32
      %dma_start3A_18 = tpu.memref_slice %arg8[%dma_start3A_17] : memref<3136xi32, #tpu.memory_space<vmem>> -> memref<2784xi32, #tpu.memory_space<vmem>>
      %dma_start3A_19 = tpu.memref_slice %arg3[%mul3A_2] : memref<100000xi32, #tpu.memory_space<hbm>> -> memref<2784xi32, #tpu.memory_space<hbm>>
      tpu.enqueue_dma source(%dma_start3A_19 : memref<2784xi32, #tpu.memory_space<hbm>>) target(%dma_start3A_18 : memref<2784xi32, #tpu.memory_space<vmem>>) target_semaphore(%arg10 : memref<!tpu.dma_semaphore, #tpu.memory_space<semaphore_mem>>)
      tpu.wait_dma2 semaphore(%arg10 : memref<!tpu.dma_semaphore, #tpu.memory_space<semaphore_mem>>) src(%arg4 : memref<120xf32, #tpu.memory_space<hbm>>) dst(%arg6 : memref<120xf32, #tpu.memory_space<vmem>>)
      %dma_wait3A = arith.constant 0 : i32
      %dma_wait3A_20 = tpu.memref_slice %arg7[%dma_wait3A] : memref<3136xf32, #tpu.memory_space<vmem>> -> memref<2784xf32, #tpu.memory_space<vmem>>
      %dma_wait3A_21 = tpu.memref_slice %arg2[%mul3A_2] : memref<100000xf32, #tpu.memory_space<hbm>> -> memref<2784xf32, #tpu.memory_space<hbm>>
      %dma_wait3A_22 = arith.constant 0 : i32
      %dma_wait3A_23 = tpu.memref_slice %arg7[%dma_wait3A_22] : memref<3136xf32, #tpu.memory_space<vmem>> -> memref<2784xf32, #tpu.memory_space<vmem>>
      %dma_wait3A_24 = tpu.memref_slice %arg2[%mul3A_2] : memref<100000xf32, #tpu.memory_space<hbm>> -> memref<2784xf32, #tpu.memory_space<hbm>>
      tpu.wait_dma2 semaphore(%arg10 : memref<!tpu.dma_semaphore, #tpu.memory_space<semaphore_mem>>) src(%dma_wait3A_24 : memref<2784xf32, #tpu.memory_space<hbm>>) dst(%dma_wait3A_23 : memref<2784xf32, #tpu.memory_space<vmem>>)
      %dma_wait3A_25 = arith.constant 0 : i32
      %dma_wait3A_26 = tpu.memref_slice %arg8[%dma_wait3A_25] : memref<3136xi32, #tpu.memory_space<vmem>> -> memref<2784xi32, #tpu.memory_space<vmem>>
      %dma_wait3A_27 = tpu.memref_slice %arg3[%mul3A_2] : memref<100000xi32, #tpu.memory_space<hbm>> -> memref<2784xi32, #tpu.memory_space<hbm>>
      %dma_wait3A_28 = arith.constant 0 : i32
      %dma_wait3A_29 = tpu.memref_slice %arg8[%dma_wait3A_28] : memref<3136xi32, #tpu.memory_space<vmem>> -> memref<2784xi32, #tpu.memory_space<vmem>>
      %dma_wait3A_30 = tpu.memref_slice %arg3[%mul3A_2] : memref<100000xi32, #tpu.memory_space<hbm>> -> memref<2784xi32, #tpu.memory_space<hbm>>
      tpu.wait_dma2 semaphore(%arg10 : memref<!tpu.dma_semaphore, #tpu.memory_space<semaphore_mem>>) src(%dma_wait3A_30 : memref<2784xi32, #tpu.memory_space<hbm>>) dst(%dma_wait3A_29 : memref<2784xi32, #tpu.memory_space<vmem>>)
      %parallel_loop3A = arith.constant 0 : i32
      %parallel_loop3A_31 = arith.constant 2784 : i32
      %parallel_loop3A_32 = arith.constant 16 : i32
      scf.for %parallel_loop3A_33 = %parallel_loop3A to %parallel_loop3A_31 step %parallel_loop3A_32  : i32 {
        %parallel_loop3A_34 = arith.index_cast %parallel_loop3A_33 : i32 to index
        %parallel_loop3A_35 = tpu.vector_load %arg8[%parallel_loop3A_34] {strides = array<i32>} : memref<3136xi32, #tpu.memory_space<vmem>>, vector<16xi32>,
        %parallel_loop3A_36 = tpu.vector_load_idx %arg6[%parallel_loop3A_35] : memref<120xf32, #tpu.memory_space<vmem>>[vector<16xi32>], vector<16xf32>,
        %parallel_loop3A_37 = arith.index_cast %parallel_loop3A_33 : i32 to index
        %parallel_loop3A_38 = tpu.vector_load %arg7[%parallel_loop3A_37] {strides = array<i32>} : memref<3136xf32, #tpu.memory_space<vmem>>, vector<16xf32>,
        %parallel_loop3A_39 = arith.subf %parallel_loop3A_38, %parallel_loop3A_36 : vector<16xf32>
        %parallel_loop3A_40 = arith.index_cast %parallel_loop3A_33 : i32 to index
        %parallel_loop3A_41 = tpu.vector_load %arg9[%parallel_loop3A_40] {strides = array<i32>} : memref<3136xf32, #tpu.memory_space<vmem>>, vector<16xf32>,
        tpu.vector_store %arg9[%parallel_loop3A_40], %parallel_loop3A_39 {strides = array<i32>} : memref<3136xf32, #tpu.memory_space<vmem>>, vector<16xf32>,
      } {sc.loop_unroll_factor = 6 : i64, sc.parallel_access}
      "tpu.region"() ({
        %run_scoped3A = tpu.sem_alloc : memref<!tpu.dma_semaphore, #tpu.memory_space<semaphore_mem>>
        %dma_start3A_33 = arith.constant 0 : i32
        %dma_start3A_34 = tpu.memref_slice %arg9[%dma_start3A_33] : memref<3136xf32, #tpu.memory_space<vmem>> -> memref<2784xf32, #tpu.memory_space<vmem>>
        %dma_start3A_35 = tpu.memref_slice %arg5[%mul3A_2] : memref<100000xf32, #tpu.memory_space<hbm>> -> memref<2784xf32, #tpu.memory_space<hbm>>
        %dma_start3A_36 = tpu.memref_slice %arg5[%mul3A_2] : memref<100000xf32, #tpu.memory_space<hbm>> -> memref<2784xf32, #tpu.memory_space<hbm>>
        %dma_start3A_37 = arith.constant 0 : i32
        %dma_start3A_38 = tpu.memref_slice %arg9[%dma_start3A_37] : memref<3136xf32, #tpu.memory_space<vmem>> -> memref<2784xf32, #tpu.memory_space<vmem>>
        tpu.enqueue_dma source(%dma_start3A_38 : memref<2784xf32, #tpu.memory_space<vmem>>) target(%dma_start3A_36 : memref<2784xf32, #tpu.memory_space<hbm>>) target_semaphore(%run_scoped3A : memref<!tpu.dma_semaphore, #tpu.memory_space<semaphore_mem>>)
        %dma_wait3A_39 = arith.constant 0 : i32
        %dma_wait3A_40 = tpu.memref_slice %arg9[%dma_wait3A_39] : memref<3136xf32, #tpu.memory_space<vmem>> -> memref<2784xf32, #tpu.memory_space<vmem>>
        %dma_wait3A_41 = tpu.memref_slice %arg5[%mul3A_2] : memref<100000xf32, #tpu.memory_space<hbm>> -> memref<2784xf32, #tpu.memory_space<hbm>>
        %dma_wait3A_42 = tpu.memref_slice %arg5[%mul3A_2] : memref<100000xf32, #tpu.memory_space<hbm>> -> memref<2784xf32, #tpu.memory_space<hbm>>
        %dma_wait3A_43 = arith.constant 0 : i32
        %dma_wait3A_44 = tpu.memref_slice %arg9[%dma_wait3A_43] : memref<3136xf32, #tpu.memory_space<vmem>> -> memref<2784xf32, #tpu.memory_space<vmem>>
        tpu.wait_dma2 semaphore(%run_scoped3A : memref<!tpu.dma_semaphore, #tpu.memory_space<semaphore_mem>>) src(%dma_wait3A_44 : memref<2784xf32, #tpu.memory_space<vmem>>) dst(%dma_wait3A_42 : memref<2784xf32, #tpu.memory_space<hbm>>)
        tpu.yield
      }) : () -> ()
    } else {
    }
    return
  }
}

</mosaic_0001>

<sc_bundles>
// kernel: kernel.3.cloned.1.call-start
scs
__scs_entry_jumppad:
0x0: {  	(pc) =	sbr.rel $0x88, $3  }
0x1: {  	(tag) =	ssettag $0x0;
	lr =	simm.s32 $0x1  }
0x2: {  	[smem:$0x3F9E] =	sst lr;
	_ =	strace $0xD0000000  }
0x3: {  	_ = 	snop  }
0x4: {  	_ = 	snop  }
0x5: {  	_ = 	snop  }
0x6: {  	_ = 	snop  }
0x7: {  	_ = 	snop  }
__scs_overlays_trampoline_lowered:
0x8: {  	[smem:$0x3FAD] =	sst s0  }
0x9: {  	[smem:$0x3FAE] =	sst s1  }
0xa: {  	[smem:$0x3FAF] =	sst s2  }
0xb: {  	[smem:$0x3FB0] =	sst s3  }
0xc: {  	[smem:$0x3FB1] =	sst s4  }
0xd: {  	[smem:$0x3FB2] =	sst s5  }
0xe: {  	[smem:$0x3FB3] =	sst s6  }
0xf: {  	[smem:$0x3FB4] =	sst s7  }
0x10: {  	[smem:$0x3FB5] =	sst s8  }
0x11: {  	[smem:$0x3FB6] =	sst s9;
	s0 =	simm.s32 @!p0 $0x0  }
0x12: {  	s1 =	sld [smem:$0x3F9C];
	s0 =	simm.s32 @p0 $0x1  }
0x13: {  	[smem:$0x3FB7] =	sst s0;
	s0 =	simm.s32 @!p1 $0x0  }
0x14: {  	s2 =	sld [smem:$0x3F9B];
	s0 =	simm.s32 @p1 $0x1  }
0x15: {  	[smem:$0x3FB8] =	sst s0;
	s0 =	simm.s32 @!p2 $0x0  }
0x16: {  	s3 =	sld [smem:$0x3FDB];
	s0 =	simm.s32 @p2 $0x1  }
0x17: {  	s4 =	simm.s32 $0x1BF5;
	[smem:$0x3FBA] =	sst s0  }
0x18: {  	s0 =	sld [smem:$0x3F9D];
	_ =	swait.ge [sflag:s4], $0x0  }
0x19: {  	s7 =	sld [smem:$0x3F9E]  }
0x1a: {  	s8 =	sadd.s32 $0xFFFFE003, lr  }
0x1b: {  	s9 =	sadd.s32 $0xFFFFFEF7, lr;
	s5 =	simm.s32 $0xFFFFFFFF;
	p2 =	slt.u32 s8, $0xFFFFF086  }
0x1c: {  	p1 =	slt.u32 s9, $0xF7A;
	s5 =	simm.s32 @!p2 $0x0  }
0x1d: {  	s5 =	simm.s32 @p1 $0x1;
	p0 =	seq.s32 s7, s2  }
0x1e: {  	s7 =	smul.u32 @!p0 $0xF7A, s2;
	p2 =	seq.s32 @!p0 s5, $0x0  }
0x1f: {  	s9 =	smul.u32 $0xF7A, s1;
	s8 =	simm.s32 @!p0 $0x1BF5;
	p2 =	por !p2, p0  }
0x20: {  	[sflag:s8] =	ssyncset.s32 @!p0 $0xFFFFF086;
	s6 =	sadd.s32 @!p0 s3, s7;
	s7 =	simm.s32 @!p0 $0x108  }
0x21: {  	s3 =	sadd.s32 s3, s9;
	s6 =	sadd.s32 @!p0 $0x88, s6;
	s7 =	simm.s32 @p2 $0x1082  }
0x22: {  	[simem:s7], [sflag:s8] =	dma.local @!p0 [hbm:s6], $0xF7A  }
0x23: {  	s9 =	sor.u32 $0xD0000000, s2;
	s6 =	simm.s32 $0x108;
	_ =	swait.ge @!p0 [sflag:s8], $0x0  }
0x24: {  	s3 =	sadd.s32 $0x88, s3;
	s6 =	simm.s32 @!p1 $0x1082;
	[sflag:s4] =	ssyncset.s32 $0xFFFFF086  }
0x25: {  	[simem:s6], [sflag:s4] =	dma.local [hbm:s3], $0xF7A  }
0x26: {  	[smem:$0x3F9E] =	sst s1;
	(tag) =	ssettag s2;
	_ =	strace s9  }
0x27: {  	s1 =	sld [smem:$0x3FAE]  }
0x28: {  	s2 =	sld [smem:$0x3FAF]  }
0x29: {  	s4 =	sld [smem:$0x3FB1]  }
0x2a: {  	p0 =	seq.s32 s5, $0x0;
	s5 =	sld [smem:$0x3FB2]  }
0x2b: {  	s6 =	sld [smem:$0x3FB3]  }
0x2c: {  	s7 =	sld [smem:$0x3FB4]  }
0x2d: {  	s3 =	simm.s32 $0x108;
	s8 =	sld [smem:$0x3FB5]  }
0x2e: {  	s3 =	simm.s32 @!p0 $0x1082;
	s9 =	sld [smem:$0x3FB6]  }
0x2f: {  	lr =	sadd.s32 s0, s3;
	s0 =	sld [smem:$0x3FAD]  }
0x30: {  	s3 =	sld [smem:$0x3FB0]  }
0x31: {  	[smem:$0x3FB9] =	sst s10  }
0x32: {  	s10 =	sld [smem:$0x3FB7];
	_ =	sdelay $0x3  }
0x33: {  	p0 =	seq.s32 s10, $0x1;
	s10 =	sld [smem:$0x3FB9];
	_ =	sdelay $0x3  }
0x34: {  	[smem:$0x3FB9] =	sst s10  }
0x35: {  	s10 =	sld [smem:$0x3FB8];
	_ =	sdelay $0x3  }
0x36: {  	p1 =	seq.s32 s10, $0x1;
	s10 =	sld [smem:$0x3FB9];
	_ =	sdelay $0x3  }
0x37: {  	[smem:$0x3FB9] =	sst s10  }
0x38: {  	s10 =	sld [smem:$0x3FBA]  }
0x39: {  	_ = 	snop;
	(pc) =	sbr.ind lr, $3  }
0x3a: {  	_ = 	snop  }
0x3b: {  	_ = 	snop  }
0x3c: {  	p2 =	seq.s32 s10, $0x1;
	s10 =	sld [smem:$0x3FB9]  }
0x3d: {  	_ =	shalt  }
0x3e: {  	_ =	shalt  }
0x3f: {  	_ =	shalt  }
0x40: {  	_ =	shalt  }
0x41: {  	_ =	shalt  }
0x42: {  	_ =	shalt  }
0x43: {  	_ =	shalt  }
0x44: {  	_ =	shalt  }
0x45: {  	_ =	shalt  }
0x46: {  	_ =	shalt  }
0x47: {  	_ =	shalt  }
0x48: {  	_ =	shalt  }
0x49: {  	_ =	shalt  }
0x4a: {  	_ =	shalt  }
0x4b: {  	_ =	shalt  }
0x4c: {  	_ =	shalt  }
0x4d: {  	_ =	shalt  }
0x4e: {  	_ =	shalt  }
0x4f: {  	_ =	shalt  }
0x50: {  	_ =	shalt  }
0x51: {  	_ =	shalt  }
0x52: {  	_ =	shalt  }
0x53: {  	_ =	shalt  }
0x54: {  	_ =	shalt  }
0x55: {  	_ =	shalt  }
0x56: {  	_ =	shalt  }
0x57: {  	_ =	shalt  }
0x58: {  	_ =	shalt  }
0x59: {  	_ =	shalt  }
0x5a: {  	_ =	shalt  }
0x5b: {  	_ =	shalt  }
0x5c: {  	_ =	shalt  }
0x5d: {  	_ =	shalt  }
0x5e: {  	_ =	shalt  }
0x5f: {  	_ =	shalt  }
0x60: {  	_ =	shalt  }
0x61: {  	_ =	shalt  }
0x62: {  	_ =	shalt  }
0x63: {  	_ =	shalt  }
0x64: {  	_ =	shalt  }
0x65: {  	_ =	shalt  }
0x66: {  	_ =	shalt  }
0x67: {  	_ =	shalt  }
0x68: {  	_ =	shalt  }
0x69: {  	_ =	shalt  }
0x6a: {  	_ =	shalt  }
0x6b: {  	_ =	shalt  }
0x6c: {  	_ =	shalt  }
0x6d: {  	_ =	shalt  }
0x6e: {  	_ =	shalt  }
0x6f: {  	_ =	shalt  }
0x70: {  	_ =	shalt  }
0x71: {  	_ =	shalt  }
0x72: {  	_ =	shalt  }
0x73: {  	_ =	shalt  }
0x74: {  	_ =	shalt  }
0x75: {  	_ =	shalt  }
0x76: {  	_ =	shalt  }
0x77: {  	_ =	shalt  }
0x78: {  	_ =	shalt  }
0x79: {  	_ =	shalt  }
0x7a: {  	_ =	shalt  }
0x7b: {  	_ =	shalt  }
0x7c: {  	_ =	shalt  }
0x7d: {  	_ =	shalt  }
0x7e: {  	_ =	shalt  }
0x7f: {  	_ =	shalt  }
0x80: {  	_ =	shalt  }
0x81: {  	_ =	shalt  }
0x82: {  	_ =	shalt  }
0x83: {  	_ =	shalt  }
0x84: {  	_ =	shalt  }
0x85: {  	_ =	shalt  }
0x86: {  	_ =	shalt  }
0x87: {  	_ =	shalt  }
.Lfunc_end0:
.L_simem_size_0:
called_computation_lowered:
.L_overlay_start_0:
0x88: {  	s2 =	sld [smem:$0x3FD9]  }
0x89: {  	s3 =	sld [smem:$0x3FFE];
	_ =	sdelay $0x1  }
0x8a: {  	s1 =	srdreg.scid  }
0x8b: {  	s0 =	sand.u32 $0x1, s1  }
0x8c: {  	s18 =	sshll.u32 s0, $0xA;
	s2 =	sadd.s32 s3, s2  }
0x8d: {  	s2 =	sadd.s32 s2, s18  }
0x8e: {  	[smem:$0x3FC5] =	sst s2  }
0x8f: {  	_ = 	snop  }
0x90: {  	s2 =	sld [smem:$0x3FC9]  }
0x91: {  	s19 =	sld [smem:$0x3FC8]  }
0x92: {  	s4 =	sld [smem:$0x3FC7]  }
0x93: {  	s5 =	sld [smem:$0x3FD0];
	(tm) =	ssettm $0x1  }
0x94: {  	s6 =	sld [smem:$0x3FFB];
	_ =	sdelay $0x3  }
0x95: {  	_ =	strace s6  }
0x96: {  	s6 =	sld [smem:$0x3FFC];
	_ =	sdelay $0x3  }
0x97: {  	_ =	strace s6  }
0x98: {  	s6 =	sld [smem:$0x3FFD];
	_ =	sdelay $0x3  }
0x99: {  	_ =	strace s6  }
0x9a: {  	_ =	strace $0x8FFFFFFF  }
0x9b: {  	s20 =	sld [smem:$0x3FDB];
	_ =	sdelay $0x1  }
0x9c: {  	s7 =	simm.s32 $_scs_section_size  }
0x9d: {  	s8 =	simm.s32 $_size__tile_overlayer_lowered;
	s9 =	simm.s32 $_tile_overlayer_lowered  }
0x9e: {  	s23 =	simm.s32 $0x1BFF;
	s22 =	sshll.u32 s9, $0x1;
	s6 =	sadd.s32 s7, s20  }
0x9f: {  	s10 =	simm.s32 $0x0;
	s21 =	sshll.u32 s8, $0x1;
	s8 =	sadd.s32 s22, s6  }
0xa0: {  	[timem:s10], [sflag:s23] =	dma.local [hbm:s8], s21  }
0xa1: {  	_ =	swait.ge [sflag:s23], s21  }
0xa2: {  	s7 =	ssub.s32 $0x0, s21;
	[sflag:s23] =	ssyncset.done $0x0  }
0xa3: {  	[sflag:s23] =	ssyncadd.s32 s7;
	_ =	sdelay $0x1  }
0xa4: {  	s24 =	simm.s32 $0x1B8B  }
0xa5: {  	_ =	swait.ge [sflag:s24], $0x1  }
0xa6: {  	[sflag:s24] =	ssyncset.done $0x0  }
0xa7: {  	s25 =	simm.s32 $0x1B8E;
	[sflag:s24] =	ssyncadd.s32 $0xFFFFFFFF  }
0xa8: {  	s26 =	simm.s32 $execute0_lowered;
	[smem:$0x3FD2] =	sst s25  }
0xa9: {  	s7 =	sshll.u32 s26, $0x1;
	_ =	strace $0x80000046;
	[dreg:$0x1] =	wrdreg $0xFFFFFFFF  }
0xaa: {  	s28 =	simm.s32 $_size_execute0_lowered;
	s6 =	sadd.s32 s6, s7;
	[dreg:$0x0] =	wrdreg $0x0  }
0xab: {  	s7 =	sshll.u32 s28, $0x1;
	[dreg:$0x2] =	wrdreg s6  }
0xac: {  	[dreg:$0x3] =	wrdreg s7  }
0xad: {  	[dreg:$0x4] =	wrdreg $0xC0  }
0xae: {  	_ =	task [dreg:s10], $0x5FFFF  }
0xaf: {  	[dreg:$0x1] =	wrdreg $0xFFFFFFFF  }
0xb0: {  	[dreg:$0x0] =	wrdreg $0x60  }
0xb1: {  	[dreg:$0x2] =	wrdreg s2  }
0xb2: {  	[dreg:$0x3] =	wrdreg s19  }
0xb3: {  	[dreg:$0x4] =	wrdreg s4  }
0xb4: {  	[dreg:$0x5] =	wrdreg s5  }
0xb5: {  	[dreg:$0x6] =	wrdreg $0x9  }
0xb6: {  	_ =	task.clear_ibuf [dreg:s10], $0x7FFFF;
	_ =	strace $0x90000046  }
0xb7: {  	s29 =	simm.s32 $0x9;
	_ =	strace $0x80000048  }
0xb8: {  	_ =	swait.ge [sflag:s29], $0x1  }
0xb9: {  	[sflag:s29] =	ssyncadd.s32 $0xFFFFFFFF  }
0xba: {  	_ =	strace $0x90000048  }
0xbb: {  	_ =	sfence  }
0xbc: {  	s30 =	sld [smem:$0x0];
	_ =	sdelay $0x2  }
0xbd: {  	s31 =	sshll.u32 s1, $0xD;
	s1 =	sshrl.u32 s1, $0x2  }
0xbe: {  	s3 =	sand.u32 $0x4000, s31;
	s1 =	sadd.s32 s1, s30  }
0xbf: {  	s0 =	sor.u32 s3, s0;
	s1 =	sshll.u32 s1, $0x11  }
0xc0: {  	s0 =	sor.u32 s1, s0  }
0xc1: {  	s0 =	sadd.s32 $0x8F2B, s0  }
0xc2: {  	[sflag:s0] =	ssyncadd.remote.s32 $0x1  }
0xc3: {  	_ =	sfence.sel $0xFFFF  }
0xc4: {  	[dreg:$0x0] =	wrdreg $0xFFFFFFFF;
	(pc) =	sbr.abs _section_cstart, $3  }
0xc5: {  	[dreg:$0x1] =	wrdreg $0xFFFFFFFF  }
0xc6: {  	_ =	task.clear_ibuf [dreg:s10], $0x2FFFF;
	_ =	strace $0x9FFFFFFF  }
0xc7: {  	(tm) =	ssettm $0x7FFFFFFF  }
tec
execute0_lowered:
.L_overlay_start_1:
0x0: {  	(tag) =	ssettag $0x1  }
0x1: {  	s7 =	rddreg [dreg:$0x0]  }
0x2: {  	s8 =	rddreg [dreg:$0x1]  }
0x3: {  	s2 =	rddreg [dreg:$0x2]  }
0x4: {  	s1 =	srdreg.scid;
	s0 =	stileid.u32  }
0x5: {  	s9 =	rddreg [dreg:$0x3];
	s3 =	simm.s32 $0x0;
	s12 =	simm.s32 $0xD00  }
0x6: {  	s13 =	simm.s32 $0x1;
	s4 =	sand.u32 $0x1, s1;
	s5 =	sshll.u32 s0, $0x1  }
0x7: {  	s14 =	simm.s32 $0x1980;
	s15 =	simm.s32 $0x2;
	s11 =	sor.u32 s4, s5  }
0x8: {  	s16 =	simm.s32 $0x0;
	s1 =	rddreg [dreg:$0x4];
	s6 =	smul.u32 $0x188, s11  }
.Ltmp0:
0x9: {  	[smem:$0x7FF] =	sst s3;
	s4 =	ssub.s32 $0x2, s4;
	(pc) =	sbr.rel .LBB2_1-.Ltmp0, $4  }
0xa: {  	_ =	strace $0x80000047;
	s31 =	sshrl.u32 s4, $0x1;
	p0 =	seq.s32 s11, $0x1F  }
0xb: {  	s11 =	simm.s32 $0x80;
	s10 =	ssub.s32 s4, s31;
	s4 =	sadd.s32 s7, s6  }
0xc: {  	s5 =	sadd.s32 s8, s6;
	s6 =	sadd.s32 s9, s6;
	s7 =	sadd.s32 $0x2F78, s7  }
0xd: {  	s8 =	sadd.s32 $0x2F78, s8;
	s9 =	sadd.s32 $0x2F78, s9;
	s10 =	smax.u32 s10, $0x1  }
.LBB2_7:
0xe: {  	v8 =	vld [tilespmem:s18+$0x0]  }
0xf: {  	v9 =	vld [tilespmem:s18+$0x10]  }
0x10: {  	v4 =	vsub.f32 v5, v4  }
0x11: {  	v3 =	vsub.f32 v6, v3  }
0x12: {  	v2 =	vsub.f32 v7, v2;
	[tilespmem:s17+$0xFFFFFFD0] =	vst v4  }
0x13: {  	[tilespmem:s17+$0xFFFFFFE0] =	vst v3;
	v0 =	vsub.f32 v8, v0  }
0x14: {  	[tilespmem:s17+$0xFFFFFFF0] =	vst v2;
	v1 =	vsub.f32 v9, v1  }
0x15: {  	[tilespmem:s17+$0x0] =	vst v0  }
0x16: {  	[tilespmem:s17+$0x10] =	vst v1  }
0x17: {  	[hbm4b:s9+s3] =	stream.linear.scatter [tilespmem:s14], [sflag:$0x2], $0xAE0, $0x38;
	[tilespmem:$0x2600] =	vst v63  }
0x18: {  	_ =	swait.ge [sflag:s15], $0xAE0  }
0x19: {  	[sflag:s15] =	ssyncset.done $0x0  }
0x1a: {  	[sflag:s15] =	ssyncadd.s32 $0xFFFFF520  }
.LBB2_8:
0x1b: {  	s16 =	sadd.s32 $0x1, s16  }
0x1c: {  	p1 =	sne.s32 s16, s10  }
.Ltmp1:
0x1d: {  	_ = 	snop;
	(pc) =	sbr.rel @!p1 .LBB2_9-.Ltmp1, $1  }
0x1e: {  	_ =	sdelay $0x3  }
.LBB2_1:
.Ltmp2:
0x1f: {  	(pc) =	sbr.rel @!p0 .LBB2_2-.Ltmp2, $2  }
0x20: {  	_ =	sdelay $0x2  }
0x21: {  	[tilespmem:s3], [sflag:$0x1] =	stream.linear.gather [hbm4b:s2+s3], $0x80, $0x38;
	[tilespmem:$0x2600] =	vst v63  }
0x22: {  	[tilespmem:s11], [sflag:$0x1] =	stream.linear.gather [hbm4b:s7+s3], $0xAE0, $0x38;
	[tilespmem:$0x2600] =	vst v63  }
0x23: {  	_ = 	snop  }
0x24: {  	[tilespmem:s12], [sflag:$0x1] =	stream.linear.gather [hbm4b:s8+s3], $0xAE0, $0x38;
	[tilespmem:$0x2600] =	vst v63  }
0x25: {  	_ =	swait.ge [sflag:s13], $0x80  }
0x26: {  	[sflag:s13] =	ssyncset.done $0x0  }
0x27: {  	[sflag:s13] =	ssyncadd.s32 $0xFFFFFF80  }
0x28: {  	_ =	swait.ge [sflag:s13], $0xAE0  }
0x29: {  	[sflag:s13] =	ssyncset.done $0x0  }
0x2a: {  	[sflag:s13] =	ssyncadd.s32 $0xFFFFF520  }
0x2b: {  	_ =	swait.ge [sflag:s13], $0xAE0  }
0x2c: {  	[sflag:s13] =	ssyncset.done $0x0  }
0x2d: {  	s17 =	simm.s32 $0xD30;
	[sflag:s13] =	ssyncadd.s32 $0xFFFFF520  }
0x2e: {  	v0 =	vld [tilespmem:s17+$0x20]  }
0x2f: {  	v1 =	vld [tilespmem:s17+$0xFFFFFFE0]  }
0x30: {  	v2 =	vld [tilespmem:s17+$0xFFFFFFF0]  }
0x31: {  	v4 =	vld [tilespmem:s17+$0x0]  }
0x32: {  	v5 =	vld [tilespmem:s17+$0xFFFFFFD0]  }
0x33: {  	v6 =	vld [tilespmem:s17+$0x10]  }
0x34: {  	s18 =	simm.s32 $0xB0  }
0x35: {  	v8 =	vld [tilespmem:s18+$0x20]  }
0x36: {  	v7 =	vld.idx.msk [tilespmem:v0+s3+$0x0], $0xffff  }
0x37: {  	v3 =	vld.idx.msk [tilespmem:v1+s3+$0x0], $0xffff  }
0x38: {  	v2 =	vld.idx.msk [tilespmem:v2+s3+$0x0], $0xffff  }
0x39: {  	v0 =	vld.idx.msk [tilespmem:v4+s3+$0x0], $0xffff  }
0x3a: {  	v4 =	vld.idx.msk [tilespmem:v5+s3+$0x0], $0xffff  }
0x3b: {  	v1 =	vld.idx.msk [tilespmem:v6+s3+$0x0], $0xffff  }
0x3c: {  	v5 =	vld [tilespmem:s18+$0xFFFFFFD0];
	v7 =	vsub.f32 v8, v7  }
0x3d: {  	s17 =	simm.s32 $0x19B0;
	v6 =	vld [tilespmem:s18+$0xFFFFFFE0]  }
0x3e: {  	s19 =	simm.s32 $0x0;
	s20 =	simm.s32 $0xD90;
	[tilespmem:s17+$0x20] =	vst v7;
	v7 =	vld [tilespmem:s18+$0xFFFFFFF0]  }
.LBB2_6:
0x3f: {  	v8 =	vld [tilespmem:s20+$0x20];
	s19 =	sadd.s32 $0x60, s19  }
0x40: {  	v9 =	vld [tilespmem:s20+$0xFFFFFFE0];
	p1 =	slt.u32 s19, $0xA80  }
0x41: {  	v4 =	vsub.f32 v5, v4;
	v10 =	vld [tilespmem:s20+$0xFFFFFFF0]  }
0x42: {  	v3 =	vsub.f32 v6, v3;
	v5 =	vld [tilespmem:s20+$0x0]  }
0x43: {  	v2 =	vsub.f32 v7, v2;
	v6 =	vld [tilespmem:s20+$0x10];
	[tilespmem:s17+$0xFFFFFFD0] =	vst v4  }
0x44: {  	v4 =	vld [tilespmem:s20+$0xFFFFFFD0];
	[tilespmem:s17+$0xFFFFFFE0] =	vst v3  }
0x45: {  	[tilespmem:s17+$0xFFFFFFF0] =	vst v2;
	v7 =	vld [tilespmem:s18+$0x0]  }
0x46: {  	v11 =	vld [tilespmem:s18+$0x10]  }
0x47: {  	s18 =	sadd.s32 $0x60, s18;
	v8 =	vld.idx.msk [tilespmem:v8+s3+$0x0], $0xffff  }
0x48: {  	v12 =	vld [tilespmem:s18+$0x20]  }
0x49: {  	v3 =	vld.idx.msk [tilespmem:v9+s3+$0x0], $0xffff  }
0x4a: {  	v2 =	vld.idx.msk [tilespmem:v10+s3+$0x0], $0xffff;
	v7 =	vsub.f32 v7, v0  }
0x4b: {  	v0 =	vld.idx.msk [tilespmem:v5+s3+$0x0], $0xffff;
	v5 =	vsub.f32 v11, v1  }
.Ltmp3:
0x4c: {  	v4 =	vld.idx.msk [tilespmem:v4+s3+$0x0], $0xffff;
	[tilespmem:s17+$0x0] =	vst v7;
	(pc) =	sbr.rel @p1 .LBB2_6-.Ltmp3, $4  }
0x4d: {  	v1 =	vld.idx.msk [tilespmem:v6+s3+$0x0], $0xffff;
	v7 =	vsub.f32 v12, v8;
	[tilespmem:s17+$0x10] =	vst v5  }
0x4e: {  	s17 =	sadd.s32 $0x60, s17;
	v5 =	vld [tilespmem:s18+$0xFFFFFFD0]  }
0x4f: {  	v6 =	vld [tilespmem:s18+$0xFFFFFFE0];
	[tilespmem:s17+$0x20] =	vst v7  }
0x50: {  	s20 =	sadd.s32 $0x60, s20;
	v7 =	vld [tilespmem:s18+$0xFFFFFFF0]  }
.Ltmp4:
0x51: {  	_ = 	snop;
	(pc) =	sbr.rel .LBB2_7-.Ltmp4, $1  }
0x52: {  	_ =	sdelay $0x3  }
.LBB2_2:
0x53: {  	[tilespmem:s11], [sflag:$0x1] =	stream.linear.gather [hbm4b:s4+s3], $0xC40, $0x38;
	[tilespmem:$0x2600] =	vst v63  }
0x54: {  	_ = 	snop  }
0x55: {  	[tilespmem:s12], [sflag:$0x1] =	stream.linear.gather [hbm4b:s5+s3], $0xC40, $0x38;
	[tilespmem:$0x2600] =	vst v63  }
0x56: {  	_ =	swait.ge [sflag:s13], $0x80  }
0x57: {  	[sflag:s13] =	ssyncset.done $0x0  }
0x58: {  	[sflag:s13] =	ssyncadd.s32 $0xFFFFFF80  }
0x59: {  	_ =	swait.ge [sflag:s13], $0xC40  }
0x5a: {  	[sflag:s13] =	ssyncset.done $0x0  }
0x5b: {  	[sflag:s13] =	ssyncadd.s32 $0xFFFFF3C0  }
0x5c: {  	_ =	swait.ge [sflag:s13], $0xC40  }
0x5d: {  	s17 =	simm.s32 $0x0;
	[sflag:s13] =	ssyncset.done $0x0  }
0x5e: {  	s18 =	sand.u32 $0xFE0, s17;
	[sflag:s13] =	ssyncadd.s32 $0xFFFFF3C0  }
0x5f: {  	s21 =	simm.s32 $0xE0;
	v1 =	vld [tilespmem:s18+$0xD80]  }
0x60: {  	s17 =	sand.u32 $0xFE0, s21;
	v7 =	vld [tilespmem:s18+$0x100]  }
0x61: {  	s20 =	simm.s32 $0xD70;
	v0 =	vld [tilespmem:s17+$0xD80]  }
0x62: {  	v2 =	vld [tilespmem:s20+$0xFFFFFF90]  }
0x63: {  	v3 =	vld [tilespmem:s20+$0xFFFFFFA0]  }
0x64: {  	v4 =	vld [tilespmem:s20+$0xFFFFFFB0]  }
0x65: {  	v5 =	vld [tilespmem:s20+$0xFFFFFFC0]  }
0x66: {  	v6 =	vld [tilespmem:s20+$0xFFFFFFD0]  }
0x67: {  	v9 =	vld [tilespmem:s20+$0xFFFFFFE0]  }
0x68: {  	s19 =	simm.s32 $0xF0;
	v10 =	vld [tilespmem:s20+$0xFFFFFFF0]  }
0x69: {  	v12 =	vld [tilespmem:s19+$0x60]  }
0x6a: {  	v13 =	vld [tilespmem:s20+$0x20]  }
0x6b: {  	v14 =	vld [tilespmem:s20+$0x30]  }
0x6c: {  	v15 =	vld [tilespmem:s20+$0x40]  }
0x6d: {  	v16 =	vld [tilespmem:s20+$0x50]  }
0x6e: {  	v8 =	vld.idx.msk [tilespmem:v1+s3+$0x0], $0xffff  }
0x6f: {  	v1 =	vld [tilespmem:s20+$0x60]  }
0x70: {  	v17 =	vld.idx.msk [tilespmem:v2+s3+$0x0], $0xffff  }
0x71: {  	v18 =	vld.idx.msk [tilespmem:v3+s3+$0x0], $0xffff  }
0x72: {  	v19 =	vld.idx.msk [tilespmem:v4+s3+$0x0], $0xffff  }
0x73: {  	v20 =	vld.idx.msk [tilespmem:v5+s3+$0x0], $0xffff  }
0x74: {  	v21 =	vld.idx.msk [tilespmem:v6+s3+$0x0], $0xffff  }
0x75: {  	v22 =	vld.idx.msk [tilespmem:v9+s3+$0x0], $0xffff  }
0x76: {  	v6 =	vld.idx.msk [tilespmem:v10+s3+$0x0], $0xffff  }
0x77: {  	v4 =	vld.idx.msk [tilespmem:v13+s3+$0x0], $0xffff  }
0x78: {  	v3 =	vld.idx.msk [tilespmem:v14+s3+$0x0], $0xffff  }
0x79: {  	v2 =	vld.idx.msk [tilespmem:v15+s3+$0x0], $0xffff  }
0x7a: {  	v9 =	vld [tilespmem:s19+$0xFFFFFF90]  }
0x7b: {  	v10 =	vld [tilespmem:s19+$0xFFFFFFA0]  }
0x7c: {  	v11 =	vld.idx.msk [tilespmem:v1+s3+$0x0], $0xffff  }
0x7d: {  	v1 =	vld [tilespmem:s20+$0x0]  }
0x7e: {  	v13 =	vld [tilespmem:s19+$0xFFFFFFB0];
	v7 =	vsub.f32 v7, v8  }
0x7f: {  	v14 =	vld [tilespmem:s19+$0xFFFFFFE0]  }
0x80: {  	v8 =	vld [tilespmem:s19+$0xFFFFFFC0];
	[tilespmem:s18+$0x1A00] =	vst v7;
	v7 =	vsub.f32 v9, v17  }
0x81: {  	s18 =	simm.s32 $0x19F0;
	v9 =	vsub.f32 v10, v18;
	v10 =	vld [tilespmem:s19+$0x0]  }
0x82: {  	[tilespmem:s18+$0xFFFFFF90] =	vst v7;
	v11 =	vsub.f32 v12, v11;
	v12 =	vld [tilespmem:s19+$0xFFFFFFD0]  }
0x83: {  	[tilespmem:s18+$0xFFFFFFA0] =	vst v9;
	v9 =	vld [tilespmem:s19+$0x20]  }
0x84: {  	v7 =	vsub.f32 v13, v19;
	[tilespmem:s18+$0x60] =	vst v11;
	v11 =	vld [tilespmem:s19+$0xFFFFFFF0]  }
0x85: {  	v8 =	vsub.f32 v8, v20;
	v5 =	vld.idx.msk [tilespmem:v1+s3+$0x0], $0xffff  }
0x86: {  	[tilespmem:s18+$0xFFFFFFB0] =	vst v7;
	v7 =	vld [tilespmem:s19+$0x30]  }
0x87: {  	[tilespmem:s18+$0xFFFFFFC0] =	vst v8;
	v8 =	vld [tilespmem:s19+$0x40];
	v13 =	vsub.f32 v12, v21  }
0x88: {  	v1 =	vld.idx.msk [tilespmem:v16+s3+$0x0], $0xffff;
	v12 =	vsub.f32 v14, v22  }
.LBB2_3:
0x89: {  	s21 =	sadd.s32 $0xE0, s21;
	[tilespmem:s18+$0xFFFFFFD0] =	vst v13;
	v6 =	vsub.f32 v11, v6;
	v11 =	vld [tilespmem:s19+$0x50]  }
0x8a: {  	s22 =	sand.u32 $0xFE0, s21;
	v13 =	vld [tilespmem:s17+$0x100];
	[tilespmem:s18+$0xFFFFFFE0] =	vst v12;
	v5 =	vsub.f32 v10, v5  }
0x8b: {  	p1 =	slt.u32 s21, $0xB60;
	v10 =	vld [tilespmem:s22+$0xD80];
	[tilespmem:s18+$0xFFFFFFF0] =	vst v6;
	v4 =	vsub.f32 v9, v4  }
0x8c: {  	s20 =	sadd.s32 $0xE0, s20;
	v6 =	vld.idx.msk [tilespmem:v0+s3+$0x0], $0xffff;
	[tilespmem:s18+$0x0] =	vst v5;
	v0 =	vsub.f32 v7, v3  }
0x8d: {  	v3 =	vld [tilespmem:s20+$0x60];
	[tilespmem:s18+$0x20] =	vst v4;
	v2 =	vsub.f32 v8, v2  }
0x8e: {  	v4 =	vld [tilespmem:s20+$0xFFFFFF90];
	[tilespmem:s18+$0x30] =	vst v0;
	v5 =	vsub.f32 v11, v1  }
0x8f: {  	v1 =	vld [tilespmem:s20+$0xFFFFFFA0];
	[tilespmem:s18+$0x40] =	vst v2  }
0x90: {  	v2 =	vld [tilespmem:s20+$0xFFFFFFB0];
	[tilespmem:s18+$0x50] =	vst v5;
	v0 =	vmov v10  }
0x91: {  	v5 =	vld [tilespmem:s20+$0xFFFFFFC0]  }
0x92: {  	v7 =	vld [tilespmem:s20+$0xFFFFFFD0]  }
0x93: {  	v8 =	vld [tilespmem:s20+$0xFFFFFFE0]  }
0x94: {  	v9 =	vld [tilespmem:s20+$0xFFFFFFF0]  }
0x95: {  	s19 =	sadd.s32 $0xE0, s19;
	v3 =	vld.idx.msk [tilespmem:v3+s3+$0x0], $0xffff  }
0x96: {  	v10 =	vld [tilespmem:s19+$0x60]  }
0x97: {  	v11 =	vld [tilespmem:s20+$0x0]  }
0x98: {  	v12 =	vld [tilespmem:s20+$0x20]  }
0x99: {  	v14 =	vld [tilespmem:s20+$0x30]  }
0x9a: {  	v6 =	vsub.f32 v13, v6;
	v13 =	vld [tilespmem:s20+$0x40]  }
0x9b: {  	v15 =	vld [tilespmem:s20+$0x50];
	v3 =	vsub.f32 v10, v3  }
0x9c: {  	s18 =	sadd.s32 $0xE0, s18;
	v10 =	vld.idx.msk [tilespmem:v4+s3+$0x0], $0xffff;
	[tilespmem:s17+$0x1A00] =	vst v6;
	s17 =	smov.u32 s22  }
0x9d: {  	v16 =	vld.idx.msk [tilespmem:v1+s3+$0x0], $0xffff;
	[tilespmem:s18+$0x60] =	vst v3  }
0x9e: {  	v17 =	vld.idx.msk [tilespmem:v2+s3+$0x0], $0xffff  }
0x9f: {  	v18 =	vld.idx.msk [tilespmem:v5+s3+$0x0], $0xffff  }
0xa0: {  	v7 =	vld.idx.msk [tilespmem:v7+s3+$0x0], $0xffff  }
0xa1: {  	v8 =	vld.idx.msk [tilespmem:v8+s3+$0x0], $0xffff  }
0xa2: {  	v6 =	vld.idx.msk [tilespmem:v9+s3+$0x0], $0xffff  }
0xa3: {  	v5 =	vld.idx.msk [tilespmem:v11+s3+$0x0], $0xffff  }
0xa4: {  	v4 =	vld.idx.msk [tilespmem:v12+s3+$0x0], $0xffff  }
0xa5: {  	v3 =	vld.idx.msk [tilespmem:v14+s3+$0x0], $0xffff  }
0xa6: {  	v2 =	vld.idx.msk [tilespmem:v13+s3+$0x0], $0xffff  }
0xa7: {  	v1 =	vld.idx.msk [tilespmem:v15+s3+$0x0], $0xffff  }
0xa8: {  	v9 =	vld [tilespmem:s19+$0xFFFFFF90]  }
0xa9: {  	v11 =	vld [tilespmem:s19+$0xFFFFFFA0]  }
0xaa: {  	v12 =	vld [tilespmem:s19+$0xFFFFFFB0]  }
0xab: {  	v13 =	vld [tilespmem:s19+$0xFFFFFFC0]  }
0xac: {  	v14 =	vld [tilespmem:s19+$0xFFFFFFD0]  }
0xad: {  	v9 =	vsub.f32 v9, v10;
	v15 =	vld [tilespmem:s19+$0xFFFFFFE0]  }
.Ltmp5:
0xae: {  	v16 =	vsub.f32 v11, v16;
	v11 =	vld [tilespmem:s19+$0xFFFFFFF0];
	(pc) =	sbr.rel @p1 .LBB2_3-.Ltmp5, $4  }
0xaf: {  	[tilespmem:s18+$0xFFFFFF90] =	vst v9;
	v12 =	vsub.f32 v12, v17;
	v10 =	vld [tilespmem:s19+$0x0]  }
0xb0: {  	[tilespmem:s18+$0xFFFFFFA0] =	vst v16;
	v16 =	vsub.f32 v13, v18;
	v9 =	vld [tilespmem:s19+$0x20]  }
0xb1: {  	[tilespmem:s18+$0xFFFFFFB0] =	vst v12;
	v13 =	vsub.f32 v14, v7;
	v7 =	vld [tilespmem:s19+$0x30]  }
0xb2: {  	[tilespmem:s18+$0xFFFFFFC0] =	vst v16;
	v12 =	vsub.f32 v15, v8;
	v8 =	vld [tilespmem:s19+$0x40]  }
0xb3: {  	_ =	sdelay $0x1  }
0xb4: {  	v14 =	vld [tilespmem:s19+$0x50]  }
0xb5: {  	v15 =	vld [tilespmem:s17+$0x100]  }
0xb6: {  	v0 =	vld.idx.msk [tilespmem:v0+s3+$0x0], $0xffff;
	s20 =	sadd.s32 $0xE0, s20  }
0xb7: {  	v16 =	vld [tilespmem:s20+$0x60]  }
0xb8: {  	v17 =	vld [tilespmem:s20+$0xFFFFFF90]  }
0xb9: {  	v18 =	vld [tilespmem:s20+$0xFFFFFFA0]  }
0xba: {  	v19 =	vld [tilespmem:s20+$0xFFFFFFB0]  }
0xbb: {  	v20 =	vld [tilespmem:s20+$0xFFFFFFC0]  }
0xbc: {  	v21 =	vld [tilespmem:s20+$0xFFFFFFD0]  }
0xbd: {  	v22 =	vld [tilespmem:s20+$0xFFFFFFE0]  }
0xbe: {  	s30 =	sadd.s32 $0xE0, s19;
	v23 =	vld [tilespmem:s20+$0xFFFFFFF0]  }
0xbf: {  	v24 =	vld [tilespmem:s30+$0x60]  }
0xc0: {  	v25 =	vld [tilespmem:s20+$0x0]  }
0xc1: {  	v26 =	vld [tilespmem:s20+$0x20]  }
0xc2: {  	v27 =	vld [tilespmem:s20+$0x30]  }
0xc3: {  	v28 =	vld [tilespmem:s20+$0x40]  }
0xc4: {  	v29 =	vld [tilespmem:s20+$0x50]  }
0xc5: {  	v39 =	vld [tilespmem:s30+$0xFFFFFF90]  }
0xc6: {  	v40 =	vld [tilespmem:s30+$0xFFFFFFA0]  }
0xc7: {  	v41 =	vld [tilespmem:s30+$0xFFFFFFB0]  }
0xc8: {  	v42 =	vld [tilespmem:s30+$0xFFFFFFC0]  }
0xc9: {  	v44 =	vld [tilespmem:s30+$0xFFFFFFD0]  }
0xca: {  	v46 =	vld [tilespmem:s30+$0xFFFFFFE0]  }
0xcb: {  	v48 =	vld [tilespmem:s30+$0xFFFFFFF0]  }
0xcc: {  	v50 =	vld [tilespmem:s30+$0x0]  }
0xcd: {  	v52 =	vld [tilespmem:s30+$0x20]  }
0xce: {  	v54 =	vld [tilespmem:s30+$0x30]  }
0xcf: {  	[tilespmem:s18+$0xFFFFFFD0] =	vst v13;
	v6 =	vsub.f32 v11, v6;
	v56 =	vld [tilespmem:s30+$0x40]  }
0xd0: {  	[tilespmem:s18+$0xFFFFFFE0] =	vst v12;
	v5 =	vsub.f32 v10, v5;
	v58 =	vld [tilespmem:s30+$0x50]  }
0xd1: {  	[tilespmem:s18+$0xFFFFFFF0] =	vst v6;
	v4 =	vsub.f32 v9, v4;
	v16 =	vld.idx.msk [tilespmem:v16+s3+$0x0], $0xffff  }
0xd2: {  	[tilespmem:s18+$0x0] =	vst v5;
	v3 =	vsub.f32 v7, v3;
	v17 =	vld.idx.msk [tilespmem:v17+s3+$0x0], $0xffff  }
0xd3: {  	[tilespmem:s18+$0x20] =	vst v4;
	v2 =	vsub.f32 v8, v2;
	v18 =	vld.idx.msk [tilespmem:v18+s3+$0x0], $0xffff  }
0xd4: {  	[tilespmem:s18+$0x30] =	vst v3;
	v1 =	vsub.f32 v14, v1;
	v19 =	vld.idx.msk [tilespmem:v19+s3+$0x0], $0xffff  }
0xd5: {  	v0 =	vsub.f32 v15, v0;
	[tilespmem:s18+$0x40] =	vst v2;
	v20 =	vld.idx.msk [tilespmem:v20+s3+$0x0], $0xffff  }
0xd6: {  	[tilespmem:s18+$0x50] =	vst v1;
	v21 =	vld.idx.msk [tilespmem:v21+s3+$0x0], $0xffff;
	v43 =	vsub.f32 v24, v16  }
0xd7: {  	s31 =	sadd.s32 $0xE0, s18;
	[tilespmem:s17+$0x1A00] =	vst v0;
	v22 =	vld.idx.msk [tilespmem:v22+s3+$0x0], $0xffff;
	v45 =	vsub.f32 v39, v17  }
0xd8: {  	v23 =	vld.idx.msk [tilespmem:v23+s3+$0x0], $0xffff;
	v47 =	vsub.f32 v40, v18;
	[tilespmem:s31+$0x60] =	vst v43  }
0xd9: {  	v25 =	vld.idx.msk [tilespmem:v25+s3+$0x0], $0xffff;
	v49 =	vsub.f32 v41, v19;
	[tilespmem:s31+$0xFFFFFF90] =	vst v45  }
0xda: {  	v26 =	vld.idx.msk [tilespmem:v26+s3+$0x0], $0xffff;
	v51 =	vsub.f32 v42, v20;
	[tilespmem:s31+$0xFFFFFFA0] =	vst v47  }
0xdb: {  	v36 =	vld.idx.msk [tilespmem:v27+s3+$0x0], $0xffff;
	v53 =	vsub.f32 v44, v21;
	[tilespmem:s31+$0xFFFFFFB0] =	vst v49  }
0xdc: {  	v37 =	vld.idx.msk [tilespmem:v28+s3+$0x0], $0xffff;
	v55 =	vsub.f32 v46, v22;
	[tilespmem:s31+$0xFFFFFFC0] =	vst v51  }
0xdd: {  	v38 =	vld.idx.msk [tilespmem:v29+s3+$0x0], $0xffff;
	v57 =	vsub.f32 v48, v23;
	[tilespmem:s31+$0xFFFFFFD0] =	vst v53  }
0xde: {  	v59 =	vsub.f32 v50, v25;
	[tilespmem:s31+$0xFFFFFFE0] =	vst v55  }
0xdf: {  	v60 =	vsub.f32 v52, v26;
	[tilespmem:s31+$0xFFFFFFF0] =	vst v57  }
0xe0: {  	v61 =	vsub.f32 v54, v36;
	[tilespmem:s31+$0x0] =	vst v59  }
0xe1: {  	v62 =	vsub.f32 v56, v37;
	[tilespmem:s31+$0x20] =	vst v60  }
0xe2: {  	v63 =	vsub.f32 v58, v38;
	[tilespmem:s31+$0x30] =	vst v61  }
0xe3: {  	[tilespmem:s31+$0x40] =	vst v62  }
.Ltmp6:
0xe4: {  	[tilespmem:s31+$0x50] =	vst v63;
	(pc) =	sbr.rel .LBB2_8-.Ltmp6, $4  }
0xe5: {  	[hbm4b:s6+s3] =	stream.linear.scatter [tilespmem:s14], [sflag:$0x2], $0xC40, $0x38;
	[tilespmem:$0x2600] =	vst v63  }
0xe6: {  	_ =	swait.ge [sflag:s15], $0xC40  }
0xe7: {  	[sflag:s15] =	ssyncset.done $0x0  }
0xe8: {  	[sflag:s15] =	ssyncadd.s32 $0xFFFFF3C0  }
.LBB2_9:
0xe9: {  	_ =	sfence.sel $0x180000  }
0xea: {  	[bflag:$0x0] =	sbarrier.arrive $0xFFFF  }
0xeb: {  	p0 =	sne.s32 s0, $0x0;
	_ =	strace $0x90000047  }
0xec: {  	s0 =	sadd.s32 @!p0 $0x100000, s1;
	[bflag:$0x2] =	sbarrier.arrive $0xFFFF  }
0xed: {  	[sflag:s0] =	ssyncadd.tile.s32 @!p0 $0x1;
	_ =	shalt  }
.Lfunc_end2:
_tile_overlayer_lowered:
.L_overlay_start_2:
0xee: {  	(tag) =	ssettag $0x2  }
0xef: {  	s0 =	rddreg [dreg:$0x0];
	s2 =	stileid.u32  }
0xf0: {  	s1 =	rddreg [dreg:$0x1];
	p0 =	sne.s32 s2, $0x0  }
0xf1: {  	s3 =	rddreg [dreg:$0x2];
	[bflag:$0x3] =	sbarrier.arrive $0xFFFF;
	s2 =	simm.s32 @!p0 $0x1C02  }
0xf2: {  	[timem:s3], [sflag:s2] =	dma.local @!p0 [hbm:s0], s1  }
0xf3: {  	s0 =	simm.s32 @!p0 $0x2  }
0xf4: {  	_ =	swait.ge @!p0 [sflag:s0], s1  }
0xf5: {  	s1 =	ssub.s32 @!p0 $0x0, s1;
	[sflag:s0] =	ssyncset.done @!p0 $0x0  }
0xf6: {  	[sflag:s0] =	ssyncadd.s32 @!p0 s1  }
0xf7: {  	[bflag:$0x3] =	sbarrier.arrive $0xFFFF  }
0xf8: {  	_ =	shalt  }

</sc_bundles>
